<compile_context>
chip_gen: v7x
topology: tpu7x:2x2x1
jax: 0.10.2.dev20260603
libtpu: 0.0.44.dev20260713+nightly
codegen_flags: <defaults>
</compile_context>

<pallas_src>
import functools

import jax
import jax.numpy as jnp
from jax import lax
from jax.experimental import pallas as pl
from jax.experimental.pallas import tpu as pltpu
from jax.experimental.pallas import tpu_sc as plsc

_LANES = 128
_NCLS = 29
_HBINS = 32
_NSUB = 16


def _conv_vote_body(x_ref, w_ref, b_ref, votes_ref):
    logits = lax.dot_general(
        x_ref[...], w_ref[...],
        dimension_numbers=(((1,), (1,)), ((), ())),
        preferred_element_type=jnp.float32,
    ) + b_ref[...]
    lane = jax.lax.broadcasted_iota(jnp.int32, logits.shape, 1)
    rowmax = jnp.max(logits, axis=1, keepdims=True)
    vote = jnp.min(jnp.where(logits == rowmax, lane, _LANES), axis=1,
                   keepdims=True)
    votes_ref[...] = vote.reshape(votes_ref.shape)


def _sc_hist_body(chunk, votes_hbm, out_hbm, votes_v, hist_v, gath_v,
                  shared, out_v):
    cid = lax.axis_index("c")
    sid = lax.axis_index("s")

    @pl.when(cid == 0)
    def _core0():
        pltpu.sync_copy(votes_hbm.at[pl.ds(sid * chunk, chunk)], votes_v)
        zeros16 = jnp.zeros((16,), jnp.float32)
        hist_v[pl.ds(0, 16)] = zeros16
        hist_v[pl.ds(16, 16)] = zeros16
        ones16 = jnp.ones((16,), jnp.float32)

        def body(j, carry):
            v = votes_v[pl.ds(pl.multiple_of(j * 16, 16), 16)]
            plsc.addupdate_scatter(hist_v, [v], ones16)
            return carry

        lax.fori_loop(0, chunk // 16, body, 0)
        pltpu.sync_copy(hist_v, shared.at[sid])
        plsc.subcore_barrier()

        @pl.when(sid == 0)
        def _finalize():
            pltpu.sync_copy(shared, gath_v)
            h0 = jnp.zeros((16,), jnp.float32)
            h1 = jnp.zeros((16,), jnp.float32)
            for j in range(_NSUB):
                h0 = h0 + gath_v[j, pl.ds(0, 16)]
                h1 = h1 + gath_v[j, pl.ds(16, 16)]
            m = jnp.maximum(jnp.max(h0), jnp.max(h1))
            iota = lax.iota(jnp.int32, 16)
            w0 = jnp.min(jnp.where(h0 == m, iota, _LANES))
            w1 = jnp.min(jnp.where(h1 == m, iota + 16, _LANES))
            winner = jnp.minimum(w0, w1)
            out_v[pl.ds(0, 16)] = (iota == winner).astype(jnp.float32)
            out_v[pl.ds(16, 16)] = ((iota + 16) == winner).astype(jnp.float32)
            pltpu.sync_copy(out_v.at[pl.ds(0, _NCLS)], out_hbm.at[0])


def kernel(x, W, b):
    _, T, C = x.shape
    xs = x.reshape(T, C)
    b2 = b.reshape(1, _NCLS)
    Tb = 2048
    votes = pl.pallas_call(
        _conv_vote_body,
        grid=(T // Tb,),
        in_specs=[
            pl.BlockSpec((Tb, C), lambda i: (i, 0)),
            pl.BlockSpec((_NCLS, C), lambda i: (0, 0)),
            pl.BlockSpec((1, _NCLS), lambda i: (0, 0)),
        ],
        out_specs=pl.BlockSpec((Tb // _LANES, _LANES), lambda i: (i, 0)),
        out_shape=jax.ShapeDtypeStruct((T // _LANES, _LANES), jnp.int32),
    )(xs, W, b2)

    chunk = T // _NSUB
    mesh = plsc.VectorSubcoreMesh(core_axis_name="c", subcore_axis_name="s",
                                  num_cores=1)
    sc_hist = functools.partial(
        pl.kernel,
        out_type=jax.ShapeDtypeStruct((1, _NCLS), jnp.float32),
        mesh=mesh,
        compiler_params=pltpu.CompilerParams(needs_layout_passes=False),
        scratch_types=[
            pltpu.VMEM((chunk,), jnp.int32),
            pltpu.VMEM((_HBINS,), jnp.float32),
            pltpu.VMEM((_NSUB, _HBINS), jnp.float32),
            pltpu.VMEM_SHARED((_NSUB, _HBINS), jnp.float32),
            pltpu.VMEM((_HBINS,), jnp.float32),
        ],
    )(functools.partial(_sc_hist_body, chunk))
    return sc_hist(votes.reshape(T))

# --- scband reference (transcript-rebuilt; emitter-appended) ---
"""Pipeline reference for scband-temporal-voting-fc1-89833535963827 (READ-ONLY COPY).

The authoritative reference and input builder live on the scoring server;
editing this copy changes nothing except your own understanding.
"""

import jax, jax.numpy as jnp
import numpy as np

def setup_inputs(seed: int = 0) -> dict:
    key = jax.random.key(seed)
    k1, k2, k3 = jax.random.split(key, 3)
    x = jax.random.normal(k1, (1, 32768, 1152), dtype=jnp.float32)
    # Conv1d(1152, 29, kernel_size=1) parameters: weight [29, 1152], bias [29]
    W = jax.random.normal(k2, (29, 1152), dtype=jnp.float32) * 0.02
    b = jax.random.normal(k3, (29,), dtype=jnp.float32) * 0.02
    return {"x": x, "W": W, "b": b}

def reference(x, W, b):
    # x: [B, T, C] -> transpose(2,1) -> [B, C, T]
    xt = jnp.transpose(x, (0, 2, 1))
    # 1x1 Conv1d == per-timestep linear: out[b,o,t] = sum_c W[o,c] * xt[b,c,t] + b[o]
    out = jnp.einsum('oc,bct->bot', W, xt) + b[None, :, None]  # [B, 29, T]
    # vote = out.max(1)[1][0] -> per-timestep argmax class for batch 0
    vote = jnp.argmax(out, axis=1)[0]  # [T] int
    # histogram of votes into 29 bins via scatter-add (the python loop in torch)
    result = jnp.zeros((1, 29), dtype=jnp.float32).at[0, vote].add(1.0)
    # one-hot of the winning bin
    winner = jnp.argmax(result, axis=1)[0]
    result2 = jnp.zeros((1, 29), dtype=jnp.float32).at[0, winner].set(1.0)
    return result2

if __name__ == "__main__":
    import jax
    _d = setup_inputs()
    print(jax.jit(kernel)(*tuple(_d.values())))

</pallas_src>

<mosaic_0001>
#map = affine_map<(d0, d1) -> (0)>
#map1 = affine_map<(d0, d1) -> (0, 0)>
module attributes {stable_mosaic.version = 14 : i64} {
  func.func @_sc_hist_body(%arg0: i32, %arg1: i32, %arg2: memref<32768xi32, #tpu.memory_space<hbm>>, %arg3: memref<1x29xf32, #tpu.memory_space<hbm>>, %arg4: memref<2048xi32, #tpu.memory_space<vmem>>, %arg5: memref<32xf32, #tpu.memory_space<vmem>>, %arg6: memref<16x32xf32, #tpu.memory_space<vmem>>, %arg7: memref<16x32xf32, #tpu.memory_space<vmem_shared>>, %arg8: memref<32xf32, #tpu.memory_space<vmem>>) attributes {dimension_semantics = [#tpu.dimension_semantics<core_parallel>, #tpu.dimension_semantics<subcore_parallel>], iteration_bounds = array<i64: 1, 16>, scalar_prefetch = 0 : i64, scratch_operands = 5 : i64, tpu.core_type = #tpu.core_type<sc_vector_subcore>, window_params = [{transform_indices = #map}, {transform_indices = #map1}]} {
    %eq3A = arith.constant 0 : i32
    %eq3A_0 = arith.cmpi eq, %arg0, %eq3A : i32
    %convert_element_type3A = arith.extui %eq3A_0 : i1 to i32
    %cond3A = arith.constant 0 : i32
    %cond3A_1 = arith.cmpi ne, %convert_element_type3A, %cond3A : i32
    scf.if %cond3A_1 {
      %mul3A = arith.constant 2048 : i32
      %mul3A_2 = arith.muli %arg1, %mul3A : i32
      "tpu.region"() ({
        %run_scoped3A = tpu.sem_alloc : memref<!tpu.dma_semaphore, #tpu.memory_space<semaphore_mem>>
        %dma_start3A = tpu.memref_slice %arg2[%mul3A_2] : memref<32768xi32, #tpu.memory_space<hbm>> -> memref<2048xi32, #tpu.memory_space<hbm>>
        %dma_start3A_19 = tpu.memref_slice %arg2[%mul3A_2] : memref<32768xi32, #tpu.memory_space<hbm>> -> memref<2048xi32, #tpu.memory_space<hbm>>
        tpu.enqueue_dma source(%dma_start3A_19 : memref<2048xi32, #tpu.memory_space<hbm>>) target(%arg4 : memref<2048xi32, #tpu.memory_space<vmem>>) target_semaphore(%run_scoped3A : memref<!tpu.dma_semaphore, #tpu.memory_space<semaphore_mem>>)
        %dma_wait3A = tpu.memref_slice %arg2[%mul3A_2] : memref<32768xi32, #tpu.memory_space<hbm>> -> memref<2048xi32, #tpu.memory_space<hbm>>
        %dma_wait3A_20 = tpu.memref_slice %arg2[%mul3A_2] : memref<32768xi32, #tpu.memory_space<hbm>> -> memref<2048xi32, #tpu.memory_space<hbm>>
        tpu.wait_dma2 semaphore(%run_scoped3A : memref<!tpu.dma_semaphore, #tpu.memory_space<semaphore_mem>>) src(%dma_wait3A_20 : memref<2048xi32, #tpu.memory_space<hbm>>) dst(%arg4 : memref<2048xi32, #tpu.memory_space<vmem>>)
        tpu.yield
      }) : () -> ()
      %broadcast_in_dim3A = arith.constant 0.000000e+00 : f32
      %broadcast_in_dim3A_3 = vector.broadcast %broadcast_in_dim3A : f32 to vector<16xf32>
      %swap3A = arith.constant 0 : index
      %swap3A_4 = tpu.vector_load %arg5[%swap3A] {strides = array<i32>} : memref<32xf32, #tpu.memory_space<vmem>>, vector<16xf32>,
      tpu.vector_store %arg5[%swap3A], %broadcast_in_dim3A_3 {strides = array<i32>} : memref<32xf32, #tpu.memory_space<vmem>>, vector<16xf32>,
      %swap3A_5 = arith.constant 16 : index
      %swap3A_6 = tpu.vector_load %arg5[%swap3A_5] {strides = array<i32>} : memref<32xf32, #tpu.memory_space<vmem>>, vector<16xf32>,
      tpu.vector_store %arg5[%swap3A_5], %broadcast_in_dim3A_3 {strides = array<i32>} : memref<32xf32, #tpu.memory_space<vmem>>, vector<16xf32>,
      %broadcast_in_dim3A_7 = arith.constant 1.000000e+00 : f32
      %broadcast_in_dim3A_8 = vector.broadcast %broadcast_in_dim3A_7 : f32 to vector<16xf32>
      %scan3A = arith.constant 0 : i32
      %scan3A_9 = arith.constant 0 : i32
      %scan3A_10 = arith.constant 128 : i32
      %scan3A_11 = arith.addi %scan3A_9, %scan3A_10 : i32
      %scan3A_12 = arith.constant 1 : i32
      scf.for %scan3A_19 = %scan3A_9 to %scan3A_11 step %scan3A_12  : i32 {
        %mul3A_20 = arith.constant 16 : i32
        %mul3A_21 = arith.muli %scan3A_19, %mul3A_20 : i32
        %multiple_of3A = tpu.assume_multiple %mul3A_21, 16 : i32
        %get3A = arith.index_cast %multiple_of3A : i32 to index
        %get3A_22 = tpu.vector_load %arg4[%get3A] {strides = array<i32>} : memref<2048xi32, #tpu.memory_space<vmem>>, vector<16xi32>,
        tpu.vector_store_idx %arg5[%get3A_22], %broadcast_in_dim3A_8 {add = true} : memref<32xf32, #tpu.memory_space<vmem>>[vector<16xi32>], vector<16xf32>,
      }
      %scan3A_13 = arith.constant 128 : i32
      "tpu.region"() ({
        %run_scoped3A = tpu.sem_alloc : memref<!tpu.dma_semaphore, #tpu.memory_space<semaphore_mem>>
        %dma_start3A = arith.constant 0 : i32
        %dma_start3A_19 = tpu.memref_slice %arg7[%arg1, %dma_start3A] : memref<16x32xf32, #tpu.memory_space<vmem_shared>> -> memref<1x32xf32, #tpu.memory_space<vmem_shared>>
        %dma_start3A_20 = tpu.memref_squeeze %dma_start3A_19 : memref<1x32xf32, #tpu.memory_space<vmem_shared>> -> memref<32xf32, #tpu.memory_space<vmem_shared>>
        %dma_start3A_21 = arith.constant 0 : i32
        %dma_start3A_22 = tpu.memref_slice %arg7[%arg1, %dma_start3A_21] : memref<16x32xf32, #tpu.memory_space<vmem_shared>> -> memref<1x32xf32, #tpu.memory_space<vmem_shared>>
        %dma_start3A_23 = tpu.memref_squeeze %dma_start3A_22 : memref<1x32xf32, #tpu.memory_space<vmem_shared>> -> memref<32xf32, #tpu.memory_space<vmem_shared>>
        tpu.enqueue_dma source(%arg5 : memref<32xf32, #tpu.memory_space<vmem>>) target(%dma_start3A_23 : memref<32xf32, #tpu.memory_space<vmem_shared>>) target_semaphore(%run_scoped3A : memref<!tpu.dma_semaphore, #tpu.memory_space<semaphore_mem>>)
        %dma_wait3A = arith.constant 0 : i32
        %dma_wait3A_24 = tpu.memref_slice %arg7[%arg1, %dma_wait3A] : memref<16x32xf32, #tpu.memory_space<vmem_shared>> -> memref<1x32xf32, #tpu.memory_space<vmem_shared>>
        %dma_wait3A_25 = tpu.memref_squeeze %dma_wait3A_24 : memref<1x32xf32, #tpu.memory_space<vmem_shared>> -> memref<32xf32, #tpu.memory_space<vmem_shared>>
        %dma_wait3A_26 = arith.constant 0 : i32
        %dma_wait3A_27 = tpu.memref_slice %arg7[%arg1, %dma_wait3A_26] : memref<16x32xf32, #tpu.memory_space<vmem_shared>> -> memref<1x32xf32, #tpu.memory_space<vmem_shared>>
        %dma_wait3A_28 = tpu.memref_squeeze %dma_wait3A_27 : memref<1x32xf32, #tpu.memory_space<vmem_shared>> -> memref<32xf32, #tpu.memory_space<vmem_shared>>
        tpu.wait_dma2 semaphore(%run_scoped3A : memref<!tpu.dma_semaphore, #tpu.memory_space<semaphore_mem>>) src(%arg5 : memref<32xf32, #tpu.memory_space<vmem>>) dst(%dma_wait3A_28 : memref<32xf32, #tpu.memory_space<vmem_shared>>)
        tpu.yield
      }) : () -> ()
      %barrier3A = arith.constant 0 : index
      tpu.barrier barrier_id(%barrier3A)
      %eq3A_14 = arith.constant 0 : i32
      %eq3A_15 = arith.cmpi eq, %arg1, %eq3A_14 : i32
      %convert_element_type3A_16 = arith.extui %eq3A_15 : i1 to i32
      %cond3A_17 = arith.constant 0 : i32
      %cond3A_18 = arith.cmpi ne, %convert_element_type3A_16, %cond3A_17 : i32
      scf.if %cond3A_18 {
        "tpu.region"() ({
          %run_scoped3A_229 = tpu.sem_alloc : memref<!tpu.dma_semaphore, #tpu.memory_space<semaphore_mem>>
          tpu.enqueue_dma source(%arg7 : memref<16x32xf32, #tpu.memory_space<vmem_shared>>) target(%arg6 : memref<16x32xf32, #tpu.memory_space<vmem>>) target_semaphore(%run_scoped3A_229 : memref<!tpu.dma_semaphore, #tpu.memory_space<semaphore_mem>>)
          tpu.wait_dma2 semaphore(%run_scoped3A_229 : memref<!tpu.dma_semaphore, #tpu.memory_space<semaphore_mem>>) src(%arg7 : memref<16x32xf32, #tpu.memory_space<vmem_shared>>) dst(%arg6 : memref<16x32xf32, #tpu.memory_space<vmem>>)
          tpu.yield
        }) : () -> ()
        %broadcast_in_dim3A_19 = arith.constant 0.000000e+00 : f32
        %broadcast_in_dim3A_20 = vector.broadcast %broadcast_in_dim3A_19 : f32 to vector<16xf32>
        %broadcast_in_dim3A_21 = arith.constant 0.000000e+00 : f32
        %broadcast_in_dim3A_22 = vector.broadcast %broadcast_in_dim3A_21 : f32 to vector<16xf32>
        %get3A = arith.constant 0 : i32
        %get3A_23 = arith.index_cast %get3A : i32 to index
        %get3A_24 = arith.constant 0 : index
        %get3A_25 = tpu.vector_load %arg6[%get3A_23, %get3A_24] {strides = array<i32>} : memref<16x32xf32, #tpu.memory_space<vmem>>, vector<16xf32>,
        %add3A = arith.addf %broadcast_in_dim3A_20, %get3A_25 : vector<16xf32>
        %get3A_26 = arith.constant 0 : i32
        %get3A_27 = arith.index_cast %get3A_26 : i32 to index
        %get3A_28 = arith.constant 16 : index
        %get3A_29 = tpu.vector_load %arg6[%get3A_27, %get3A_28] {strides = array<i32>} : memref<16x32xf32, #tpu.memory_space<vmem>>, vector<16xf32>,
        %add3A_30 = arith.addf %broadcast_in_dim3A_22, %get3A_29 : vector<16xf32>
        %get3A_31 = arith.constant 1 : i32
        %get3A_32 = arith.index_cast %get3A_31 : i32 to index
        %get3A_33 = arith.constant 0 : index
        %get3A_34 = tpu.vector_load %arg6[%get3A_32, %get3A_33] {strides = array<i32>} : memref<16x32xf32, #tpu.memory_space<vmem>>, vector<16xf32>,
        %add3A_35 = arith.addf %add3A, %get3A_34 : vector<16xf32>
        %get3A_36 = arith.constant 1 : i32
        %get3A_37 = arith.index_cast %get3A_36 : i32 to index
        %get3A_38 = arith.constant 16 : index
        %get3A_39 = tpu.vector_load %arg6[%get3A_37, %get3A_38] {strides = array<i32>} : memref<16x32xf32, #tpu.memory_space<vmem>>, vector<16xf32>,
        %add3A_40 = arith.addf %add3A_30, %get3A_39 : vector<16xf32>
        %get3A_41 = arith.constant 2 : i32
        %get3A_42 = arith.index_cast %get3A_41 : i32 to index
        %get3A_43 = arith.constant 0 : index
        %get3A_44 = tpu.vector_load %arg6[%get3A_42, %get3A_43] {strides = array<i32>} : memref<16x32xf32, #tpu.memory_space<vmem>>, vector<16xf32>,
        %add3A_45 = arith.addf %add3A_35, %get3A_44 : vector<16xf32>
        %get3A_46 = arith.constant 2 : i32
        %get3A_47 = arith.index_cast %get3A_46 : i32 to index
        %get3A_48 = arith.constant 16 : index
        %get3A_49 = tpu.vector_load %arg6[%get3A_47, %get3A_48] {strides = array<i32>} : memref<16x32xf32, #tpu.memory_space<vmem>>, vector<16xf32>,
        %add3A_50 = arith.addf %add3A_40, %get3A_49 : vector<16xf32>
        %get3A_51 = arith.constant 3 : i32
        %get3A_52 = arith.index_cast %get3A_51 : i32 to index
        %get3A_53 = arith.constant 0 : index
        %get3A_54 = tpu.vector_load %arg6[%get3A_52, %get3A_53] {strides = array<i32>} : memref<16x32xf32, #tpu.memory_space<vmem>>, vector<16xf32>,
        %add3A_55 = arith.addf %add3A_45, %get3A_54 : vector<16xf32>
        %get3A_56 = arith.constant 3 : i32
        %get3A_57 = arith.index_cast %get3A_56 : i32 to index
        %get3A_58 = arith.constant 16 : index
        %get3A_59 = tpu.vector_load %arg6[%get3A_57, %get3A_58] {strides = array<i32>} : memref<16x32xf32, #tpu.memory_space<vmem>>, vector<16xf32>,
        %add3A_60 = arith.addf %add3A_50, %get3A_59 : vector<16xf32>
        %get3A_61 = arith.constant 4 : i32
        %get3A_62 = arith.index_cast %get3A_61 : i32 to index
        %get3A_63 = arith.constant 0 : index
        %get3A_64 = tpu.vector_load %arg6[%get3A_62, %get3A_63] {strides = array<i32>} : memref<16x32xf32, #tpu.memory_space<vmem>>, vector<16xf32>,
        %add3A_65 = arith.addf %add3A_55, %get3A_64 : vector<16xf32>
        %get3A_66 = arith.constant 4 : i32
        %get3A_67 = arith.index_cast %get3A_66 : i32 to index
        %get3A_68 = arith.constant 16 : index
        %get3A_69 = tpu.vector_load %arg6[%get3A_67, %get3A_68] {strides = array<i32>} : memref<16x32xf32, #tpu.memory_space<vmem>>, vector<16xf32>,
        %add3A_70 = arith.addf %add3A_60, %get3A_69 : vector<16xf32>
        %get3A_71 = arith.constant 5 : i32
        %get3A_72 = arith.index_cast %get3A_71 : i32 to index
        %get3A_73 = arith.constant 0 : index
        %get3A_74 = tpu.vector_load %arg6[%get3A_72, %get3A_73] {strides = array<i32>} : memref<16x32xf32, #tpu.memory_space<vmem>>, vector<16xf32>,
        %add3A_75 = arith.addf %add3A_65, %get3A_74 : vector<16xf32>
        %get3A_76 = arith.constant 5 : i32
        %get3A_77 = arith.index_cast %get3A_76 : i32 to index
        %get3A_78 = arith.constant 16 : index
        %get3A_79 = tpu.vector_load %arg6[%get3A_77, %get3A_78] {strides = array<i32>} : memref<16x32xf32, #tpu.memory_space<vmem>>, vector<16xf32>,
        %add3A_80 = arith.addf %add3A_70, %get3A_79 : vector<16xf32>
        %get3A_81 = arith.constant 6 : i32
        %get3A_82 = arith.index_cast %get3A_81 : i32 to index
        %get3A_83 = arith.constant 0 : index
        %get3A_84 = tpu.vector_load %arg6[%get3A_82, %get3A_83] {strides = array<i32>} : memref<16x32xf32, #tpu.memory_space<vmem>>, vector<16xf32>,
        %add3A_85 = arith.addf %add3A_75, %get3A_84 : vector<16xf32>
        %get3A_86 = arith.constant 6 : i32
        %get3A_87 = arith.index_cast %get3A_86 : i32 to index
        %get3A_88 = arith.constant 16 : index
        %get3A_89 = tpu.vector_load %arg6[%get3A_87, %get3A_88] {strides = array<i32>} : memref<16x32xf32, #tpu.memory_space<vmem>>, vector<16xf32>,
        %add3A_90 = arith.addf %add3A_80, %get3A_89 : vector<16xf32>
        %get3A_91 = arith.constant 7 : i32
        %get3A_92 = arith.index_cast %get3A_91 : i32 to index
        %get3A_93 = arith.constant 0 : index
        %get3A_94 = tpu.vector_load %arg6[%get3A_92, %get3A_93] {strides = array<i32>} : memref<16x32xf32, #tpu.memory_space<vmem>>, vector<16xf32>,
        %add3A_95 = arith.addf %add3A_85, %get3A_94 : vector<16xf32>
        %get3A_96 = arith.constant 7 : i32
        %get3A_97 = arith.index_cast %get3A_96 : i32 to index
        %get3A_98 = arith.constant 16 : index
        %get3A_99 = tpu.vector_load %arg6[%get3A_97, %get3A_98] {strides = array<i32>} : memref<16x32xf32, #tpu.memory_space<vmem>>, vector<16xf32>,
        %add3A_100 = arith.addf %add3A_90, %get3A_99 : vector<16xf32>
        %get3A_101 = arith.constant 8 : i32
        %get3A_102 = arith.index_cast %get3A_101 : i32 to index
        %get3A_103 = arith.constant 0 : index
        %get3A_104 = tpu.vector_load %arg6[%get3A_102, %get3A_103] {strides = array<i32>} : memref<16x32xf32, #tpu.memory_space<vmem>>, vector<16xf32>,
        %add3A_105 = arith.addf %add3A_95, %get3A_104 : vector<16xf32>
        %get3A_106 = arith.constant 8 : i32
        %get3A_107 = arith.index_cast %get3A_106 : i32 to index
        %get3A_108 = arith.constant 16 : index
        %get3A_109 = tpu.vector_load %arg6[%get3A_107, %get3A_108] {strides = array<i32>} : memref<16x32xf32, #tpu.memory_space<vmem>>, vector<16xf32>,
        %add3A_110 = arith.addf %add3A_100, %get3A_109 : vector<16xf32>
        %get3A_111 = arith.constant 9 : i32
        %get3A_112 = arith.index_cast %get3A_111 : i32 to index
        %get3A_113 = arith.constant 0 : index
        %get3A_114 = tpu.vector_load %arg6[%get3A_112, %get3A_113] {strides = array<i32>} : memref<16x32xf32, #tpu.memory_space<vmem>>, vector<16xf32>,
        %add3A_115 = arith.addf %add3A_105, %get3A_114 : vector<16xf32>
        %get3A_116 = arith.constant 9 : i32
        %get3A_117 = arith.index_cast %get3A_116 : i32 to index
        %get3A_118 = arith.constant 16 : index
        %get3A_119 = tpu.vector_load %arg6[%get3A_117, %get3A_118] {strides = array<i32>} : memref<16x32xf32, #tpu.memory_space<vmem>>, vector<16xf32>,
        %add3A_120 = arith.addf %add3A_110, %get3A_119 : vector<16xf32>
        %get3A_121 = arith.constant 10 : i32
        %get3A_122 = arith.index_cast %get3A_121 : i32 to index
        %get3A_123 = arith.constant 0 : index
        %get3A_124 = tpu.vector_load %arg6[%get3A_122, %get3A_123] {strides = array<i32>} : memref<16x32xf32, #tpu.memory_space<vmem>>, vector<16xf32>,
        %add3A_125 = arith.addf %add3A_115, %get3A_124 : vector<16xf32>
        %get3A_126 = arith.constant 10 : i32
        %get3A_127 = arith.index_cast %get3A_126 : i32 to index
        %get3A_128 = arith.constant 16 : index
        %get3A_129 = tpu.vector_load %arg6[%get3A_127, %get3A_128] {strides = array<i32>} : memref<16x32xf32, #tpu.memory_space<vmem>>, vector<16xf32>,
        %add3A_130 = arith.addf %add3A_120, %get3A_129 : vector<16xf32>
        %get3A_131 = arith.constant 11 : i32
        %get3A_132 = arith.index_cast %get3A_131 : i32 to index
        %get3A_133 = arith.constant 0 : index
        %get3A_134 = tpu.vector_load %arg6[%get3A_132, %get3A_133] {strides = array<i32>} : memref<16x32xf32, #tpu.memory_space<vmem>>, vector<16xf32>,
        %add3A_135 = arith.addf %add3A_125, %get3A_134 : vector<16xf32>
        %get3A_136 = arith.constant 11 : i32
        %get3A_137 = arith.index_cast %get3A_136 : i32 to index
        %get3A_138 = arith.constant 16 : index
        %get3A_139 = tpu.vector_load %arg6[%get3A_137, %get3A_138] {strides = array<i32>} : memref<16x32xf32, #tpu.memory_space<vmem>>, vector<16xf32>,
        %add3A_140 = arith.addf %add3A_130, %get3A_139 : vector<16xf32>
        %get3A_141 = arith.constant 12 : i32
        %get3A_142 = arith.index_cast %get3A_141 : i32 to index
        %get3A_143 = arith.constant 0 : index
        %get3A_144 = tpu.vector_load %arg6[%get3A_142, %get3A_143] {strides = array<i32>} : memref<16x32xf32, #tpu.memory_space<vmem>>, vector<16xf32>,
        %add3A_145 = arith.addf %add3A_135, %get3A_144 : vector<16xf32>
        %get3A_146 = arith.constant 12 : i32
        %get3A_147 = arith.index_cast %get3A_146 : i32 to index
        %get3A_148 = arith.constant 16 : index
        %get3A_149 = tpu.vector_load %arg6[%get3A_147, %get3A_148] {strides = array<i32>} : memref<16x32xf32, #tpu.memory_space<vmem>>, vector<16xf32>,
        %add3A_150 = arith.addf %add3A_140, %get3A_149 : vector<16xf32>
        %get3A_151 = arith.constant 13 : i32
        %get3A_152 = arith.index_cast %get3A_151 : i32 to index
        %get3A_153 = arith.constant 0 : index
        %get3A_154 = tpu.vector_load %arg6[%get3A_152, %get3A_153] {strides = array<i32>} : memref<16x32xf32, #tpu.memory_space<vmem>>, vector<16xf32>,
        %add3A_155 = arith.addf %add3A_145, %get3A_154 : vector<16xf32>
        %get3A_156 = arith.constant 13 : i32
        %get3A_157 = arith.index_cast %get3A_156 : i32 to index
        %get3A_158 = arith.constant 16 : index
        %get3A_159 = tpu.vector_load %arg6[%get3A_157, %get3A_158] {strides = array<i32>} : memref<16x32xf32, #tpu.memory_space<vmem>>, vector<16xf32>,
        %add3A_160 = arith.addf %add3A_150, %get3A_159 : vector<16xf32>
        %get3A_161 = arith.constant 14 : i32
        %get3A_162 = arith.index_cast %get3A_161 : i32 to index
        %get3A_163 = arith.constant 0 : index
        %get3A_164 = tpu.vector_load %arg6[%get3A_162, %get3A_163] {strides = array<i32>} : memref<16x32xf32, #tpu.memory_space<vmem>>, vector<16xf32>,
        %add3A_165 = arith.addf %add3A_155, %get3A_164 : vector<16xf32>
        %get3A_166 = arith.constant 14 : i32
        %get3A_167 = arith.index_cast %get3A_166 : i32 to index
        %get3A_168 = arith.constant 16 : index
        %get3A_169 = tpu.vector_load %arg6[%get3A_167, %get3A_168] {strides = array<i32>} : memref<16x32xf32, #tpu.memory_space<vmem>>, vector<16xf32>,
        %add3A_170 = arith.addf %add3A_160, %get3A_169 : vector<16xf32>
        %get3A_171 = arith.constant 15 : i32
        %get3A_172 = arith.index_cast %get3A_171 : i32 to index
        %get3A_173 = arith.constant 0 : index
        %get3A_174 = tpu.vector_load %arg6[%get3A_172, %get3A_173] {strides = array<i32>} : memref<16x32xf32, #tpu.memory_space<vmem>>, vector<16xf32>,
        %add3A_175 = arith.addf %add3A_165, %get3A_174 : vector<16xf32>
        %get3A_176 = arith.constant 15 : i32
        %get3A_177 = arith.index_cast %get3A_176 : i32 to index
        %get3A_178 = arith.constant 16 : index
        %get3A_179 = tpu.vector_load %arg6[%get3A_177, %get3A_178] {strides = array<i32>} : memref<16x32xf32, #tpu.memory_space<vmem>>, vector<16xf32>,
        %add3A_180 = arith.addf %add3A_170, %get3A_179 : vector<16xf32>
        %reduce_max3A = arith.constant true
        %reduce_max3A_181 = vector.broadcast %reduce_max3A : i1 to vector<16xi1>
        %reduce_max3A_182 = tpu.scan <max>, %add3A_175 masked %reduce_max3A_181 : vector<16xf32>, vector<16xi1> -> vector<16xf32>
        %reduce_max3A_183 = vector.extract %reduce_max3A_182[15] : f32 from vector<16xf32>
        %reduce_max3A_184 = arith.constant true
        %reduce_max3A_185 = vector.broadcast %reduce_max3A_184 : i1 to vector<16xi1>
        %reduce_max3A_186 = tpu.scan <max>, %add3A_180 masked %reduce_max3A_185 : vector<16xf32>, vector<16xi1> -> vector<16xf32>
        %reduce_max3A_187 = vector.extract %reduce_max3A_186[15] : f32 from vector<16xf32>
        %max3A = arith.maximumf %reduce_max3A_183, %reduce_max3A_187 : f32
        %iota3A = tpu.iota {dimensions = array<i32: 0>} : vector<16xi32>
        %eq3A_188 = vector.broadcast %max3A : f32 to vector<16xf32>
        %eq3A_189 = arith.cmpf oeq, %add3A_175, %eq3A_188 : vector<16xf32>
        %jit3A = arith.constant 128 : i32
        %broadcast_in_dim3A_190 = vector.broadcast %jit3A : i32 to vector<16xi32>
        %select_n3A = arith.select %eq3A_189, %iota3A, %broadcast_in_dim3A_190 : vector<16xi1>, vector<16xi32>
        %reduce_min3A = arith.constant true
        %reduce_min3A_191 = vector.broadcast %reduce_min3A : i1 to vector<16xi1>
        %reduce_min3A_192 = arith.constant -2147483648 : i32
        %reduce_min3A_193 = vector.broadcast %reduce_min3A_192 : i32 to vector<16xi32>
        %reduce_min3A_194 = arith.xori %select_n3A, %reduce_min3A_193 : vector<16xi32>
        %reduce_min3A_195 = tpu.scan <min>, %reduce_min3A_194 masked %reduce_min3A_191 : vector<16xi32>, vector<16xi1> -> vector<16xi32>
        %reduce_min3A_196 = arith.xori %reduce_min3A_195, %reduce_min3A_193 : vector<16xi32>
        %reduce_min3A_197 = vector.extract %reduce_min3A_196[15] : i32 from vector<16xi32>
        %eq3A_198 = vector.broadcast %max3A : f32 to vector<16xf32>
        %eq3A_199 = arith.cmpf oeq, %add3A_180, %eq3A_198 : vector<16xf32>
        %add3A_200 = arith.constant 16 : i32
        %add3A_201 = vector.broadcast %add3A_200 : i32 to vector<16xi32>
        %add3A_202 = arith.addi %iota3A, %add3A_201 : vector<16xi32>
        %jit3A_203 = arith.constant 128 : i32
        %broadcast_in_dim3A_204 = vector.broadcast %jit3A_203 : i32 to vector<16xi32>
        %select_n3A_205 = arith.select %eq3A_199, %add3A_202, %broadcast_in_dim3A_204 : vector<16xi1>, vector<16xi32>
        %reduce_min3A_206 = arith.constant true
        %reduce_min3A_207 = vector.broadcast %reduce_min3A_206 : i1 to vector<16xi1>
        %reduce_min3A_208 = arith.constant -2147483648 : i32
        %reduce_min3A_209 = vector.broadcast %reduce_min3A_208 : i32 to vector<16xi32>
        %reduce_min3A_210 = arith.xori %select_n3A_205, %reduce_min3A_209 : vector<16xi32>
        %reduce_min3A_211 = tpu.scan <min>, %reduce_min3A_210 masked %reduce_min3A_207 : vector<16xi32>, vector<16xi1> -> vector<16xi32>
        %reduce_min3A_212 = arith.xori %reduce_min3A_211, %reduce_min3A_209 : vector<16xi32>
        %reduce_min3A_213 = vector.extract %reduce_min3A_212[15] : i32 from vector<16xi32>
        %min3A = arith.minsi %reduce_min3A_197, %reduce_min3A_213 : i32
        %eq3A_214 = vector.broadcast %min3A : i32 to vector<16xi32>
        %eq3A_215 = arith.cmpi eq, %iota3A, %eq3A_214 : vector<16xi32>
        %convert_element_type3A_216 = arith.extui %eq3A_215 : vector<16xi1> to vector<16xi32>
        %convert_element_type3A_217 = arith.sitofp %convert_element_type3A_216 : vector<16xi32> to vector<16xf32>
        %swap3A_218 = arith.constant 0 : index
        %swap3A_219 = tpu.vector_load %arg8[%swap3A_218] {strides = array<i32>} : memref<32xf32, #tpu.memory_space<vmem>>, vector<16xf32>,
        tpu.vector_store %arg8[%swap3A_218], %convert_element_type3A_217 {strides = array<i32>} : memref<32xf32, #tpu.memory_space<vmem>>, vector<16xf32>,
        %add3A_220 = arith.constant 16 : i32
        %add3A_221 = vector.broadcast %add3A_220 : i32 to vector<16xi32>
        %add3A_222 = arith.addi %iota3A, %add3A_221 : vector<16xi32>
        %eq3A_223 = vector.broadcast %min3A : i32 to vector<16xi32>
        %eq3A_224 = arith.cmpi eq, %add3A_222, %eq3A_223 : vector<16xi32>
        %convert_element_type3A_225 = arith.extui %eq3A_224 : vector<16xi1> to vector<16xi32>
        %convert_element_type3A_226 = arith.sitofp %convert_element_type3A_225 : vector<16xi32> to vector<16xf32>
        %swap3A_227 = arith.constant 16 : index
        %swap3A_228 = tpu.vector_load %arg8[%swap3A_227] {strides = array<i32>} : memref<32xf32, #tpu.memory_space<vmem>>, vector<16xf32>,
        tpu.vector_store %arg8[%swap3A_227], %convert_element_type3A_226 {strides = array<i32>} : memref<32xf32, #tpu.memory_space<vmem>>, vector<16xf32>,
        %run_scoped3A = arith.constant 0 : i32
        "tpu.region"() ({
          %run_scoped3A_229 = tpu.sem_alloc : memref<!tpu.dma_semaphore, #tpu.memory_space<semaphore_mem>>
          %dma_start3A = arith.constant 0 : i32
          %dma_start3A_230 = tpu.memref_slice %arg8[%dma_start3A] : memref<32xf32, #tpu.memory_space<vmem>> -> memref<29xf32, #tpu.memory_space<vmem>>
          %dma_start3A_231 = arith.constant 0 : i32
          %dma_start3A_232 = tpu.memref_slice %arg3[%run_scoped3A, %dma_start3A_231] : memref<1x29xf32, #tpu.memory_space<hbm>> -> memref<1x29xf32, #tpu.memory_space<hbm>>
          %dma_start3A_233 = tpu.memref_squeeze %dma_start3A_232 : memref<1x29xf32, #tpu.memory_space<hbm>> -> memref<29xf32, #tpu.memory_space<hbm>>
          %dma_start3A_234 = arith.constant 0 : i32
          %dma_start3A_235 = tpu.memref_slice %arg3[%run_scoped3A, %dma_start3A_234] : memref<1x29xf32, #tpu.memory_space<hbm>> -> memref<1x29xf32, #tpu.memory_space<hbm>>
          %dma_start3A_236 = tpu.memref_squeeze %dma_start3A_235 : memref<1x29xf32, #tpu.memory_space<hbm>> -> memref<29xf32, #tpu.memory_space<hbm>>
          %dma_start3A_237 = arith.constant 0 : i32
          %dma_start3A_238 = tpu.memref_slice %arg8[%dma_start3A_237] : memref<32xf32, #tpu.memory_space<vmem>> -> memref<29xf32, #tpu.memory_space<vmem>>
          tpu.enqueue_dma source(%dma_start3A_238 : memref<29xf32, #tpu.memory_space<vmem>>) target(%dma_start3A_236 : memref<29xf32, #tpu.memory_space<hbm>>) target_semaphore(%run_scoped3A_229 : memref<!tpu.dma_semaphore, #tpu.memory_space<semaphore_mem>>)
          %dma_wait3A = arith.constant 0 : i32
          %dma_wait3A_239 = tpu.memref_slice %arg8[%dma_wait3A] : memref<32xf32, #tpu.memory_space<vmem>> -> memref<29xf32, #tpu.memory_space<vmem>>
          %dma_wait3A_240 = arith.constant 0 : i32
          %dma_wait3A_241 = tpu.memref_slice %arg3[%run_scoped3A, %dma_wait3A_240] : memref<1x29xf32, #tpu.memory_space<hbm>> -> memref<1x29xf32, #tpu.memory_space<hbm>>
          %dma_wait3A_242 = tpu.memref_squeeze %dma_wait3A_241 : memref<1x29xf32, #tpu.memory_space<hbm>> -> memref<29xf32, #tpu.memory_space<hbm>>
          %dma_wait3A_243 = arith.constant 0 : i32
          %dma_wait3A_244 = tpu.memref_slice %arg3[%run_scoped3A, %dma_wait3A_243] : memref<1x29xf32, #tpu.memory_space<hbm>> -> memref<1x29xf32, #tpu.memory_space<hbm>>
          %dma_wait3A_245 = tpu.memref_squeeze %dma_wait3A_244 : memref<1x29xf32, #tpu.memory_space<hbm>> -> memref<29xf32, #tpu.memory_space<hbm>>
          %dma_wait3A_246 = arith.constant 0 : i32
          %dma_wait3A_247 = tpu.memref_slice %arg8[%dma_wait3A_246] : memref<32xf32, #tpu.memory_space<vmem>> -> memref<29xf32, #tpu.memory_space<vmem>>
          tpu.wait_dma2 semaphore(%run_scoped3A_229 : memref<!tpu.dma_semaphore, #tpu.memory_space<semaphore_mem>>) src(%dma_wait3A_247 : memref<29xf32, #tpu.memory_space<vmem>>) dst(%dma_wait3A_245 : memref<29xf32, #tpu.memory_space<hbm>>)
          tpu.yield
        }) : () -> ()
      } else {
      }
    } else {
    }
    return
  }
}

module attributes {stable_mosaic.version = 14 : i64} {
  func.func @_conv_vote_body(%arg0: i32, %arg1: memref<2048x1152xf32, #tpu.memory_space<vmem>>, %arg2: memref<29x1152xf32, #tpu.memory_space<vmem>>, %arg3: memref<1x29xf32, #tpu.memory_space<vmem>>, %arg4: memref<16x128xi32, #tpu.memory_space<vmem>>) attributes {dimension_semantics = [#tpu.dimension_semantics<arbitrary>], iteration_bounds = array<i64: 16>, scalar_prefetch = 0 : i64, scratch_operands = 0 : i64, tpu.core_type = #tpu.core_type<tc>, window_params = [{transform_indices = @transform_0, window_bounds = array<i64: 2048, 1152>}, {pipeline_mode = #tpu.pipeline_mode<synchronous>, transform_indices = @transform_1, window_bounds = array<i64: 29, 1152>}, {pipeline_mode = #tpu.pipeline_mode<synchronous>, transform_indices = @transform_2, window_bounds = array<i64: 1, 29>}, {transform_indices = @transform_3, window_bounds = array<i64: 16, 128>}]} {
    %get3A = arith.constant 0 : index
    %get3A_0 = arith.constant 0 : index
    %get3A_1 = vector.load %arg1[%get3A, %get3A_0] : memref<2048x1152xf32, #tpu.memory_space<vmem>>, vector<2048x1152xf32>
    %get3A_2 = arith.constant 0 : index
    %get3A_3 = arith.constant 0 : index
    %get3A_4 = vector.load %arg2[%get3A_2, %get3A_3] : memref<29x1152xf32, #tpu.memory_space<vmem>>, vector<29x1152xf32>
    %dot_general3A = arith.constant dense<0.000000e+00> : vector<2048x29xf32>
    %dot_general3A_5 = tpu.matmul %get3A_1, %get3A_4, %dot_general3A {dimension_numbers = #tpu.dot_dimension_numbers<[1], [1], [0], [0], [0, 0, 1, 0], [], []>, transpose_lhs_hint = false} : vector<2048x1152xf32>, vector<29x1152xf32>, vector<2048x29xf32> -> vector<2048x29xf32>
    %get3A_6 = arith.constant 0 : index
    %get3A_7 = arith.constant 0 : index
    %get3A_8 = vector.load %arg3[%get3A_6, %get3A_7] : memref<1x29xf32, #tpu.memory_space<vmem>>, vector<1x29xf32>
    %add3A = vector.broadcast %get3A_8 : vector<1x29xf32> to vector<2048x29xf32>
    %add3A_9 = arith.addf %dot_general3A_5, %add3A : vector<2048x29xf32>
    %iota3A = tpu.iota {dimensions = array<i32: 1>} : vector<2048x29xi32>
    %reduce_max3A = arith.constant dense<0xFF800000> : vector<2048xf32>
    %reduce_max3A_10 = vector.multi_reduction <maximumf>, %add3A_9, %reduce_max3A [1] : vector<2048x29xf32> to vector<2048xf32>
    %broadcast_in_dim3A = vector.shape_cast %reduce_max3A_10 : vector<2048xf32> to vector<2048x1xf32>
    %eq3A = vector.broadcast %broadcast_in_dim3A : vector<2048x1xf32> to vector<2048x29xf32>
    %eq3A_11 = arith.cmpf oeq, %add3A_9, %eq3A : vector<2048x29xf32>
    %jit3A = arith.constant 128 : i32
    %broadcast_in_dim3A_12 = vector.broadcast %jit3A : i32 to vector<2048x29xi32>
    %select_n3A = arith.select %eq3A_11, %iota3A, %broadcast_in_dim3A_12 : vector<2048x29xi1>, vector<2048x29xi32>
    %reduce_min3A = arith.constant dense<2147483647> : vector<2048xi32>
    %reduce_min3A_13 = vector.multi_reduction <minsi>, %select_n3A, %reduce_min3A [1] : vector<2048x29xi32> to vector<2048xi32>
    %broadcast_in_dim3A_14 = vector.shape_cast %reduce_min3A_13 : vector<2048xi32> to vector<2048x1xi32>
    %reshape3A = vector.shape_cast %broadcast_in_dim3A_14 : vector<2048x1xi32> to vector<16x128xi32>
    %swap3A = arith.constant 0 : index
    %swap3A_15 = arith.constant 0 : index
    %swap3A_16 = vector.load %arg4[%swap3A, %swap3A_15] : memref<16x128xi32, #tpu.memory_space<vmem>>, vector<16x128xi32>
    tpu.vector_store %arg4[%swap3A, %swap3A_15], %reshape3A {strides = array<i32>} : memref<16x128xi32, #tpu.memory_space<vmem>>, vector<16x128xi32>,
    return
  }
  func.func @transform_0(%arg0: i32) -> (i32, i32) {
    %c0_i32 = arith.constant 0 : i32
    %c0_i32_0 = arith.constant 0 : i32
    return %arg0, %c0_i32 : i32, i32
  }
  func.func @transform_1(%arg0: i32) -> (i32, i32) {
    %c0_i32 = arith.constant 0 : i32
    %c0_i32_0 = arith.constant 0 : i32
    %c0_i32_1 = arith.constant 0 : i32
    return %c0_i32, %c0_i32_0 : i32, i32
  }
  func.func @transform_2(%arg0: i32) -> (i32, i32) {
    %c0_i32 = arith.constant 0 : i32
    %c0_i32_0 = arith.constant 0 : i32
    %c0_i32_1 = arith.constant 0 : i32
    return %c0_i32, %c0_i32_0 : i32, i32
  }
  func.func @transform_3(%arg0: i32) -> (i32, i32) {
    %c0_i32 = arith.constant 0 : i32
    %c0_i32_0 = arith.constant 0 : i32
    return %arg0, %c0_i32 : i32, i32
  }
}

</mosaic_0001>

<sc_bundles>
// kernel: kernel.4.cloned.1.call-start
scs
__scs_entry_jumppad:
0x0: {  	(pc) =	sbr.rel $0x88, $3  }
0x1: {  	(tag) =	ssettag $0x0;
	lr =	simm.s32 $0x1  }
0x2: {  	[smem:$0x3F9E] =	sst lr;
	_ =	strace $0xD0000000  }
0x3: {  	_ = 	snop  }
0x4: {  	_ = 	snop  }
0x5: {  	_ = 	snop  }
0x6: {  	_ = 	snop  }
0x7: {  	_ = 	snop  }
__scs_overlays_trampoline_lowered:
0x8: {  	[smem:$0x3FAD] =	sst s0  }
0x9: {  	[smem:$0x3FAE] =	sst s1  }
0xa: {  	[smem:$0x3FAF] =	sst s2  }
0xb: {  	[smem:$0x3FB0] =	sst s3  }
0xc: {  	[smem:$0x3FB1] =	sst s4  }
0xd: {  	[smem:$0x3FB2] =	sst s5  }
0xe: {  	[smem:$0x3FB3] =	sst s6  }
0xf: {  	[smem:$0x3FB4] =	sst s7  }
0x10: {  	[smem:$0x3FB5] =	sst s8  }
0x11: {  	[smem:$0x3FB6] =	sst s9;
	s0 =	simm.s32 @!p0 $0x0  }
0x12: {  	s1 =	sld [smem:$0x3F9C];
	s0 =	simm.s32 @p0 $0x1  }
0x13: {  	[smem:$0x3FB7] =	sst s0;
	s0 =	simm.s32 @!p1 $0x0  }
0x14: {  	s2 =	sld [smem:$0x3F9B];
	s0 =	simm.s32 @p1 $0x1  }
0x15: {  	[smem:$0x3FB8] =	sst s0;
	s0 =	simm.s32 @!p2 $0x0  }
0x16: {  	s3 =	sld [smem:$0x3FDB];
	s0 =	simm.s32 @p2 $0x1  }
0x17: {  	s4 =	simm.s32 $0x1BF5;
	[smem:$0x3FBA] =	sst s0  }
0x18: {  	s0 =	sld [smem:$0x3F9D];
	_ =	swait.ge [sflag:s4], $0x0  }
0x19: {  	s7 =	sld [smem:$0x3F9E]  }
0x1a: {  	s8 =	sadd.s32 $0xFFFFE003, lr  }
0x1b: {  	s9 =	sadd.s32 $0xFFFFFEF7, lr;
	s5 =	simm.s32 $0xFFFFFFFF;
	p2 =	slt.u32 s8, $0xFFFFF086  }
0x1c: {  	p1 =	slt.u32 s9, $0xF7A;
	s5 =	simm.s32 @!p2 $0x0  }
0x1d: {  	s5 =	simm.s32 @p1 $0x1;
	p0 =	seq.s32 s7, s2  }
0x1e: {  	s7 =	smul.u32 @!p0 $0xF7A, s2;
	p2 =	seq.s32 @!p0 s5, $0x0  }
0x1f: {  	s9 =	smul.u32 $0xF7A, s1;
	s8 =	simm.s32 @!p0 $0x1BF5;
	p2 =	por !p2, p0  }
0x20: {  	[sflag:s8] =	ssyncset.s32 @!p0 $0xFFFFF086;
	s6 =	sadd.s32 @!p0 s3, s7;
	s7 =	simm.s32 @!p0 $0x108  }
0x21: {  	s3 =	sadd.s32 s3, s9;
	s6 =	sadd.s32 @!p0 $0x88, s6;
	s7 =	simm.s32 @p2 $0x1082  }
0x22: {  	[simem:s7], [sflag:s8] =	dma.local @!p0 [hbm:s6], $0xF7A  }
0x23: {  	s9 =	sor.u32 $0xD0000000, s2;
	s6 =	simm.s32 $0x108;
	_ =	swait.ge @!p0 [sflag:s8], $0x0  }
0x24: {  	s3 =	sadd.s32 $0x88, s3;
	s6 =	simm.s32 @!p1 $0x1082;
	[sflag:s4] =	ssyncset.s32 $0xFFFFF086  }
0x25: {  	[simem:s6], [sflag:s4] =	dma.local [hbm:s3], $0xF7A  }
0x26: {  	[smem:$0x3F9E] =	sst s1;
	(tag) =	ssettag s2;
	_ =	strace s9  }
0x27: {  	s1 =	sld [smem:$0x3FAE]  }
0x28: {  	s2 =	sld [smem:$0x3FAF]  }
0x29: {  	s4 =	sld [smem:$0x3FB1]  }
0x2a: {  	p0 =	seq.s32 s5, $0x0;
	s5 =	sld [smem:$0x3FB2]  }
0x2b: {  	s6 =	sld [smem:$0x3FB3]  }
0x2c: {  	s7 =	sld [smem:$0x3FB4]  }
0x2d: {  	s3 =	simm.s32 $0x108;
	s8 =	sld [smem:$0x3FB5]  }
0x2e: {  	s3 =	simm.s32 @!p0 $0x1082;
	s9 =	sld [smem:$0x3FB6]  }
0x2f: {  	lr =	sadd.s32 s0, s3;
	s0 =	sld [smem:$0x3FAD]  }
0x30: {  	s3 =	sld [smem:$0x3FB0]  }
0x31: {  	[smem:$0x3FB9] =	sst s10  }
0x32: {  	s10 =	sld [smem:$0x3FB7];
	_ =	sdelay $0x3  }
0x33: {  	p0 =	seq.s32 s10, $0x1;
	s10 =	sld [smem:$0x3FB9];
	_ =	sdelay $0x3  }
0x34: {  	[smem:$0x3FB9] =	sst s10  }
0x35: {  	s10 =	sld [smem:$0x3FB8];
	_ =	sdelay $0x3  }
0x36: {  	p1 =	seq.s32 s10, $0x1;
	s10 =	sld [smem:$0x3FB9];
	_ =	sdelay $0x3  }
0x37: {  	[smem:$0x3FB9] =	sst s10  }
0x38: {  	s10 =	sld [smem:$0x3FBA]  }
0x39: {  	_ = 	snop;
	(pc) =	sbr.ind lr, $3  }
0x3a: {  	_ = 	snop  }
0x3b: {  	_ = 	snop  }
0x3c: {  	p2 =	seq.s32 s10, $0x1;
	s10 =	sld [smem:$0x3FB9]  }
0x3d: {  	_ =	shalt  }
0x3e: {  	_ =	shalt  }
0x3f: {  	_ =	shalt  }
0x40: {  	_ =	shalt  }
0x41: {  	_ =	shalt  }
0x42: {  	_ =	shalt  }
0x43: {  	_ =	shalt  }
0x44: {  	_ =	shalt  }
0x45: {  	_ =	shalt  }
0x46: {  	_ =	shalt  }
0x47: {  	_ =	shalt  }
0x48: {  	_ =	shalt  }
0x49: {  	_ =	shalt  }
0x4a: {  	_ =	shalt  }
0x4b: {  	_ =	shalt  }
0x4c: {  	_ =	shalt  }
0x4d: {  	_ =	shalt  }
0x4e: {  	_ =	shalt  }
0x4f: {  	_ =	shalt  }
0x50: {  	_ =	shalt  }
0x51: {  	_ =	shalt  }
0x52: {  	_ =	shalt  }
0x53: {  	_ =	shalt  }
0x54: {  	_ =	shalt  }
0x55: {  	_ =	shalt  }
0x56: {  	_ =	shalt  }
0x57: {  	_ =	shalt  }
0x58: {  	_ =	shalt  }
0x59: {  	_ =	shalt  }
0x5a: {  	_ =	shalt  }
0x5b: {  	_ =	shalt  }
0x5c: {  	_ =	shalt  }
0x5d: {  	_ =	shalt  }
0x5e: {  	_ =	shalt  }
0x5f: {  	_ =	shalt  }
0x60: {  	_ =	shalt  }
0x61: {  	_ =	shalt  }
0x62: {  	_ =	shalt  }
0x63: {  	_ =	shalt  }
0x64: {  	_ =	shalt  }
0x65: {  	_ =	shalt  }
0x66: {  	_ =	shalt  }
0x67: {  	_ =	shalt  }
0x68: {  	_ =	shalt  }
0x69: {  	_ =	shalt  }
0x6a: {  	_ =	shalt  }
0x6b: {  	_ =	shalt  }
0x6c: {  	_ =	shalt  }
0x6d: {  	_ =	shalt  }
0x6e: {  	_ =	shalt  }
0x6f: {  	_ =	shalt  }
0x70: {  	_ =	shalt  }
0x71: {  	_ =	shalt  }
0x72: {  	_ =	shalt  }
0x73: {  	_ =	shalt  }
0x74: {  	_ =	shalt  }
0x75: {  	_ =	shalt  }
0x76: {  	_ =	shalt  }
0x77: {  	_ =	shalt  }
0x78: {  	_ =	shalt  }
0x79: {  	_ =	shalt  }
0x7a: {  	_ =	shalt  }
0x7b: {  	_ =	shalt  }
0x7c: {  	_ =	shalt  }
0x7d: {  	_ =	shalt  }
0x7e: {  	_ =	shalt  }
0x7f: {  	_ =	shalt  }
0x80: {  	_ =	shalt  }
0x81: {  	_ =	shalt  }
0x82: {  	_ =	shalt  }
0x83: {  	_ =	shalt  }
0x84: {  	_ =	shalt  }
0x85: {  	_ =	shalt  }
0x86: {  	_ =	shalt  }
0x87: {  	_ =	shalt  }
.Lfunc_end0:
.L_simem_size_0:
called_computation_lowered:
.L_overlay_start_0:
0x88: {  	s0 =	sld [smem:$0x3FD9]  }
0x89: {  	s1 =	sld [smem:$0x3FFE];
	_ =	sdelay $0x3  }
0x8a: {  	s0 =	sadd.s32 s1, s0  }
0x8b: {  	[smem:$0x3FC5] =	sst s0  }
0x8c: {  	_ = 	snop  }
0x8d: {  	s0 =	sld [smem:$0x3FD0];
	(tm) =	ssettm $0x1  }
0x8e: {  	s16 =	sld [smem:$0x3FFB];
	_ =	sdelay $0x3  }
0x8f: {  	_ =	strace s16  }
0x90: {  	s1 =	sld [smem:$0x3FFC];
	_ =	sdelay $0x3  }
0x91: {  	_ =	strace s1  }
0x92: {  	s1 =	sld [smem:$0x3FFD];
	_ =	sdelay $0x3  }
0x93: {  	_ =	strace s1  }
0x94: {  	_ =	strace $0x8FFFFFFF  }
0x95: {  	s17 =	sld [smem:$0x3FDB];
	_ =	sdelay $0x1  }
0x96: {  	s2 =	simm.s32 $_scs_section_size  }
0x97: {  	s3 =	simm.s32 $_size__tile_overlayer_lowered;
	s4 =	simm.s32 $_tile_overlayer_lowered  }
0x98: {  	s20 =	simm.s32 $0x1BFF;
	s19 =	sshll.u32 s4, $0x1;
	s1 =	sadd.s32 s2, s17  }
0x99: {  	s5 =	simm.s32 $0x0;
	s18 =	sshll.u32 s3, $0x1;
	s3 =	sadd.s32 s19, s1  }
0x9a: {  	[timem:s5], [sflag:s20] =	dma.local [hbm:s3], s18  }
0x9b: {  	_ =	swait.ge [sflag:s20], s18  }
0x9c: {  	s2 =	ssub.s32 $0x0, s18;
	[sflag:s20] =	ssyncset.done $0x0  }
0x9d: {  	[sflag:s20] =	ssyncadd.s32 s2;
	_ =	sdelay $0x1  }
0x9e: {  	s21 =	simm.s32 $0x1B8B  }
0x9f: {  	_ =	swait.ge [sflag:s21], $0x1  }
0xa0: {  	[sflag:s21] =	ssyncset.done $0x0  }
0xa1: {  	s23 =	simm.s32 $0x1B8E;
	s22 =	sld [smem:$0x3FFE];
	[sflag:s21] =	ssyncadd.s32 $0xFFFFFFFF  }
0xa2: {  	s24 =	simm.s32 $execute0_lowered;
	[smem:$0x3FD2] =	sst s23  }
0xa3: {  	s3 =	sshll.u32 s24, $0x1;
	_ =	strace $0x80000046;
	[dreg:$0x1] =	wrdreg $0xFFFFFFFF  }
0xa4: {  	s25 =	simm.s32 $_size_execute0_lowered;
	s1 =	sadd.s32 s1, s3;
	[dreg:$0x0] =	wrdreg $0x0  }
0xa5: {  	s3 =	sshll.u32 s25, $0x1;
	[dreg:$0x2] =	wrdreg s1  }
0xa6: {  	[dreg:$0x3] =	wrdreg s3  }
0xa7: {  	[dreg:$0x4] =	wrdreg $0xC0  }
0xa8: {  	_ =	task [dreg:s5], $0x5FFFF  }
0xa9: {  	[dreg:$0x1] =	wrdreg $0xFFFFFFFF  }
0xaa: {  	[dreg:$0x0] =	wrdreg $0x60  }
0xab: {  	[dreg:$0x2] =	wrdreg s22  }
0xac: {  	[dreg:$0x3] =	wrdreg s0  }
0xad: {  	[dreg:$0x4] =	wrdreg $0x10800  }
0xae: {  	[dreg:$0x5] =	wrdreg $0x9  }
0xaf: {  	_ =	task.clear_ibuf [dreg:s5], $0x6FFFF;
	_ =	strace $0x90000046  }
0xb0: {  	s26 =	simm.s32 $0x9;
	_ =	strace $0x80000048  }
0xb1: {  	_ =	swait.ge [sflag:s26], $0x1  }
0xb2: {  	[sflag:s26] =	ssyncadd.s32 $0xFFFFFFFF  }
0xb3: {  	_ =	strace $0x90000048  }
0xb4: {  	_ =	sfence  }
0xb5: {  	s28 =	sld [smem:$0x0];
	_ =	sdelay $0x1  }
0xb6: {  	s29 =	srdreg.scid  }
0xb7: {  	s30 =	sshll.u32 s29, $0xD;
	s31 =	sshrl.u32 s29, $0x2  }
0xb8: {  	s2 =	sand.u32 $0x4000, s30;
	s1 =	sand.u32 $0x1, s29;
	s0 =	sadd.s32 s31, s28  }
0xb9: {  	s1 =	sor.u32 s2, s1;
	s0 =	sshll.u32 s0, $0x11  }
0xba: {  	s0 =	sor.u32 s0, s1  }
0xbb: {  	s0 =	sadd.s32 $0x8F2B, s0  }
0xbc: {  	[sflag:s0] =	ssyncadd.remote.s32 $0x1  }
0xbd: {  	_ =	sfence.sel $0xFFFF  }
0xbe: {  	[dreg:$0x0] =	wrdreg $0xFFFFFFFF;
	(pc) =	sbr.abs _section_cstart, $3  }
0xbf: {  	[dreg:$0x1] =	wrdreg $0xFFFFFFFF  }
0xc0: {  	_ =	task.clear_ibuf [dreg:s5], $0x2FFFF;
	_ =	strace $0x9FFFFFFF  }
0xc1: {  	(tm) =	ssettm $0x7FFFFFFF  }
tec
execute0_lowered:
.L_overlay_start_1:
0x0: {  	(tag) =	ssettag $0x1  }
0x1: {  	s2 =	rddreg [dreg:$0x0]  }
0x2: {  	s1 =	rddreg [dreg:$0x1]  }
0x3: {  	s3 =	rddreg [dreg:$0x2];
	s4 =	stileid.u32  }
0x4: {  	s0 =	rddreg [dreg:$0x3];
	s5 =	simm.s32 $0x0;
	s6 =	sshll.u32 s4, $0x8  }
0x5: {  	[smem:$0x7FF] =	sst s5;
	s2 =	sadd.s32 s6, s2  }
0x6: {  	s31 =	simm.s32 $0x1;
	_ =	strace $0x80000047;
	s2 =	sadd.s32 $0xA00, s2  }
0x7: {  	[tilespmem:s5], [sflag:$0x1] =	stream.linear.gather [hbm4b:s2+s5], $0x800, $0x38;
	[tilespmem:$0x1120] =	vst v63  }
0x8: {  	_ =	swait.ge [sflag:s31], $0x800  }
0x9: {  	[sflag:s31] =	ssyncset.done $0x0  }
0xa: {  	v0 =	vimm.f32 $0.0e+00;
	[sflag:s31] =	ssyncadd.s32 $0xFFFFF800  }
0xb: {  	[tilespmem:$0x800] =	vst v0  }
0xc: {  	s6 =	simm.s32 $0x0;
	s2 =	simm.s32 $0x800;
	s5 =	simm.s32 $0x40;
	[tilespmem:$0x810] =	vst v0;
	v0 =	vimm.f32 $1.000000000e+00  }
.LBB2_1:
0xd: {  	p0 =	sne.s32 s5, $0x1FC0;
	v1 =	vld [tilespmem:s6+$0x0];
	_ =	sdelay $0x3  }
.Ltmp0:
0xe: {  	(pc) =	sbr.rel @p0 .LBB2_1-.Ltmp0, $2  }
0xf: {  	_ =	sdelay $0x2  }
0x10: {  	s6 =	sshra.s32 s5, $0x2;
	s5 =	sadd.s32 $0x40, s5;
	[tilespmem:v1+s2+$0x0] =	vst.idx.add.f32.msk $0xffff, v0  }
0x11: {  	v1 =	vld [tilespmem:s6+$0x0];
	_ =	sdelay $0x6  }
0x12: {  	s5 =	sshll.u32 s4, $0x7  }
0x13: {  	s31 =	simm.s32 $0x800;
	s30 =	sadd.s32 s5, s3;
	[tilespmem:v1+s2+$0x0] =	vst.idx.add.f32.msk $0xffff, v0;
	s2 =	simm.s32 $0x1  }
0x14: {  	[spmem:s30] =	stream.linear.scatter [tilespmem:s31], [sflag:$0x1], $0x80, $0x38;
	[tilespmem:$0x1120] =	vst v63  }
0x15: {  	_ =	swait.ge [sflag:s2], $0x80  }
0x16: {  	[sflag:s2] =	ssyncset.done $0x0  }
0x17: {  	[sflag:s2] =	ssyncadd.s32 $0xFFFFFF80  }
0x18: {  	p0 =	sne.s32 s4, $0x0;
	[bflag:$0x0] =	sbarrier.arrive $0xFFFF  }
0x19: {  	_ =	sfence.sel @p0 $0x180000  }
0x1a: {  	[bflag:$0x0] =	sbarrier.arrive @p0 $0xFFFF  }
0x1b: {  	_ =	strace @p0 $0x90000047  }
0x1c: {  	[bflag:$0x2] =	sbarrier.arrive @p0 $0xFFFF  }
0x1d: {  	_ =	shalt @p0  }
.LBB2_3:
0x1e: {  	s4 =	simm.s32 $0x880  }
0x1f: {  	[tilespmem:s4], [sflag:$0x1] =	stream.linear.gather [spmem:s3], $0x800, $0x38;
	[tilespmem:$0x1120] =	vst v63  }
0x20: {  	_ =	swait.ge [sflag:s2], $0x800  }
0x21: {  	[sflag:s2] =	ssyncset.done $0x0  }
0x22: {  	[sflag:s2] =	ssyncadd.s32 $0xFFFFF800  }
0x23: {  	v0 =	vld [tilespmem:$0x880]  }
0x24: {  	v1 =	vld [tilespmem:$0x890]  }
0x25: {  	v2 =	vld [tilespmem:$0x900]  }
0x26: {  	v3 =	vld [tilespmem:$0x910]  }
0x27: {  	v4 =	vld [tilespmem:$0x980]  }
0x28: {  	v5 =	vld [tilespmem:$0x990];
	v0 =	vadd.f32 $0.0e+00, v0  }
0x29: {  	v6 =	vld [tilespmem:$0xA00];
	v1 =	vadd.f32 $0.0e+00, v1  }
0x2a: {  	v28 =	vld [tilespmem:$0xA10];
	v0 =	vadd.f32 v2, v0  }
0x2b: {  	v29 =	vld [tilespmem:$0xA80];
	v1 =	vadd.f32 v3, v1  }
0x2c: {  	v30 =	vld [tilespmem:$0xA90];
	v0 =	vadd.f32 v4, v0  }
0x2d: {  	v31 =	vld [tilespmem:$0xB00];
	v1 =	vadd.f32 v5, v1  }
0x2e: {  	v32 =	vld [tilespmem:$0xB10];
	v0 =	vadd.f32 v6, v0  }
0x2f: {  	v33 =	vld [tilespmem:$0xB80];
	v1 =	vadd.f32 v28, v1  }
0x30: {  	v34 =	vld [tilespmem:$0xB90];
	v0 =	vadd.f32 v29, v0  }
0x31: {  	v35 =	vld [tilespmem:$0xC00];
	v1 =	vadd.f32 v30, v1  }
0x32: {  	v36 =	vld [tilespmem:$0xC10];
	v0 =	vadd.f32 v31, v0  }
0x33: {  	v37 =	vld [tilespmem:$0xC80];
	v1 =	vadd.f32 v32, v1  }
0x34: {  	v38 =	vld [tilespmem:$0xC90];
	v0 =	vadd.f32 v33, v0  }
0x35: {  	v39 =	vld [tilespmem:$0xD00];
	v1 =	vadd.f32 v34, v1  }
0x36: {  	v40 =	vld [tilespmem:$0xD10];
	v0 =	vadd.f32 v35, v0  }
0x37: {  	v41 =	vld [tilespmem:$0xD80];
	v1 =	vadd.f32 v36, v1  }
0x38: {  	v42 =	vld [tilespmem:$0xD90];
	v0 =	vadd.f32 v37, v0  }
0x39: {  	v43 =	vld [tilespmem:$0xE00];
	v1 =	vadd.f32 v38, v1  }
0x3a: {  	v44 =	vld [tilespmem:$0xE10];
	v0 =	vadd.f32 v39, v0  }
0x3b: {  	v45 =	vld [tilespmem:$0xE80];
	v1 =	vadd.f32 v40, v1  }
0x3c: {  	v46 =	vld [tilespmem:$0xE90];
	v0 =	vadd.f32 v41, v0  }
0x3d: {  	v47 =	vld [tilespmem:$0xF00];
	v1 =	vadd.f32 v42, v1  }
0x3e: {  	v48 =	vld [tilespmem:$0xF10];
	v0 =	vadd.f32 v43, v0  }
0x3f: {  	v49 =	vld [tilespmem:$0xF80];
	v1 =	vadd.f32 v44, v1  }
0x40: {  	v50 =	vld [tilespmem:$0xF90];
	v0 =	vadd.f32 v45, v0  }
0x41: {  	v51 =	vld [tilespmem:$0x1000];
	v1 =	vadd.f32 v46, v1  }
0x42: {  	v52 =	vld [tilespmem:$0x1010];
	v0 =	vadd.f32 v47, v0  }
0x43: {  	v1 =	vadd.f32 v48, v1  }
0x44: {  	v0 =	vadd.f32 v49, v0  }
0x45: {  	v1 =	vadd.f32 v50, v1  }
0x46: {  	v0 =	vadd.f32 v51, v0  }
0x47: {  	v1 =	vadd.f32 v52, v1  }
0x48: {  	(xrf0) =	vmax.scan.msk.f32 $0xffff, v0  }
0x49: {  	(xrf0) =	vmax.scan.msk.f32 $0xffff, v1;
	_ =	sdelay $0x4  }
0x4a: {  	v53, _, _ =	vpop (xrf0)  }
0x4b: {  	(v2sf) =	vpush v53, $0xF;
	v54, _, _ =	vpop (xrf0)  }
0x4c: {  	(v2sf) =	vpush v54, $0xF;
	_ =	sdelay $0xd  }
0x4d: {  	s25 =	spop (v2sf)  }
0x4e: {  	s26 =	spop (v2sf)  }
0x4f: {  	v55 =	vlaneseq.u32;
	s3 =	smax.f32 s25, s26  }
0x50: {  	v56 =	vor.u32 $0x80000000, v55;
	vm0 =	veq.f32 v0, s3  }
0x51: {  	v57 =	vor.u32 $0x80000010, v55;
	vm13 =	veq.f32 v1, s3;
	v0 =	vnsel vm0, $0x80000080, v56  }
0x52: {  	v58 =	vnsel vm13, $0x80000080, v57;
	(xrf0) =	vmin.scan.msk.u32 $0xffff, v0  }
0x53: {  	(xrf0) =	vmin.scan.msk.u32 $0xffff, v58;
	_ =	sdelay $0x4  }
0x54: {  	v59, _, _ =	vpop (xrf0)  }
0x55: {  	(v2sf) =	vpush v59, $0xF;
	v60, _, _ =	vpop (xrf0)  }
0x56: {  	(v2sf) =	vpush v60, $0xF;
	_ =	sdelay $0xd  }
0x57: {  	s28 =	spop (v2sf)  }
0x58: {  	s29 =	spop (v2sf)  }
0x59: {  	s3 =	sxor.u32 $0x80000000, s28;
	s4 =	sxor.u32 $0x80000000, s29  }
0x5a: {  	p0 =	slt.s32 s3, s4  }
0x5b: {  	s4 =	smov.u32 @p0 s3  }
0x5c: {  	v61 =	vmov s4  }
0x5d: {  	v62 =	vimm.s32 $0x0;
	v2 =	vor.u32 $0x10, v55;
	vm14 =	veq.s32 v61, v55  }
0x5e: {  	vm15 =	veq.s32 v61, v2;
	v63 =	vsel vm14, $0x3F800000, v62  }
0x5f: {  	v0 =	vsel vm15, $0x3F800000, v62;
	[tilespmem:$0x10A0] =	vst v63  }
0x60: {  	s30 =	simm.s32 $0x0;
	s31 =	simm.s32 $0x10A0;
	[tilespmem:$0x10B0] =	vst v0  }
0x61: {  	[hbm4b:s1+s30] =	stream.linear.scatter [tilespmem:s31], [sflag:$0x1], $0x1D, $0x38;
	[tilespmem:$0x1120] =	vst v63  }
0x62: {  	_ =	swait.ge [sflag:s2], $0x1D  }
0x63: {  	[sflag:s2] =	ssyncset.done $0x0  }
0x64: {  	[sflag:s2] =	ssyncadd.s32 $0xFFFFFFE3  }
0x65: {  	_ =	sfence.sel $0x180000  }
0x66: {  	[bflag:$0x0] =	sbarrier.arrive $0xFFFF  }
0x67: {  	_ =	strace $0x90000047  }
0x68: {  	s0 =	sadd.s32 $0x100000, s0;
	[bflag:$0x2] =	sbarrier.arrive $0xFFFF  }
0x69: {  	[sflag:s0] =	ssyncadd.tile.s32 $0x1;
	_ =	shalt  }
.Lfunc_end2:
_tile_overlayer_lowered:
.L_overlay_start_2:
0x6a: {  	(tag) =	ssettag $0x2  }
0x6b: {  	s0 =	rddreg [dreg:$0x0];
	s2 =	stileid.u32  }
0x6c: {  	s1 =	rddreg [dreg:$0x1];
	p0 =	sne.s32 s2, $0x0  }
0x6d: {  	s3 =	rddreg [dreg:$0x2];
	[bflag:$0x3] =	sbarrier.arrive $0xFFFF;
	s2 =	simm.s32 @!p0 $0x1C01  }
0x6e: {  	[timem:s3], [sflag:s2] =	dma.local @!p0 [hbm:s0], s1  }
0x6f: {  	s0 =	simm.s32 @!p0 $0x1  }
0x70: {  	_ =	swait.ge @!p0 [sflag:s0], s1  }
0x71: {  	s1 =	ssub.s32 @!p0 $0x0, s1;
	[sflag:s0] =	ssyncset.done @!p0 $0x0  }
0x72: {  	[sflag:s0] =	ssyncadd.s32 @!p0 s1  }
0x73: {  	[bflag:$0x3] =	sbarrier.arrive $0xFFFF  }
0x74: {  	_ =	shalt  }

</sc_bundles>
